<compile_context>
chip_gen: v7x
topology: tpu7x:2x2x1
jax: 0.10.2.dev20260603
libtpu: 0.0.44.dev20260713+nightly
codegen_flags: <defaults>
</compile_context>

<pallas_src>
import functools

import jax
import jax.numpy as jnp
from jax import lax
from jax.experimental import pallas as pl
from jax.experimental.pallas import tpu as pltpu
from jax.experimental.pallas import tpu_sc as plsc

B = 64
V = 1_000_000
LANES = 128
CHUNK = 16384
NB = (V + CHUNK - 1) // CHUNK
K = CHUNK // LANES

SC_L = 16


def _partials_body(gt_ref, xtok_ref, x_ref, out_ref, m_acc, s_acc):
    j = pl.program_id(0)
    nb = pl.num_programs(0)

    @pl.when(j == 0)
    def _init():
        m_acc[...] = jnp.full((B, LANES), -jnp.inf, jnp.float32)
        s_acc[...] = jnp.zeros((B, LANES), jnp.float32)

    inv = 1.0 / gt_ref[0, 0]

    def update(bm, slice_fn):
        m_old = m_acc[:, :1]
        m_new = jnp.maximum(m_old, bm)

        def body(k, acc):
            return acc + jnp.exp((slice_fn(k) - m_new) * inv)

        s128 = lax.fori_loop(
            0, K, body, jnp.zeros((B, LANES), jnp.float32), unroll=8
        )
        bs = jnp.sum(s128, axis=1, keepdims=True)
        s_acc[:, :1] = s_acc[:, :1] * jnp.exp((m_old - m_new) * inv) + bs
        m_acc[:, :1] = m_new

    @pl.when(j < nb - 1)
    def _fast():
        bm = jnp.max(x_ref[...], axis=1, keepdims=True)
        update(
            bm,
            lambda k: x_ref[:, pl.ds(pl.multiple_of(k * LANES, LANES), LANES)],
        )

    @pl.when(j == nb - 1)
    def _tail():
        col = lax.broadcasted_iota(jnp.int32, (B, CHUNK), 1) + j * CHUNK
        xm = jnp.where(col < V, x_ref[...], -jnp.inf)
        bm = jnp.max(xm, axis=1, keepdims=True)
        lane = lax.broadcasted_iota(jnp.int32, (B, LANES), 1)

        def slice_fn(k):
            sl = x_ref[:, pl.ds(pl.multiple_of(k * LANES, LANES), LANES)]
            c = lane + k * LANES + j * CHUNK
            return jnp.where(c < V, sl, -jnp.inf)

        update(bm, slice_fn)
        res = (
            jnp.exp((xtok_ref[...] - m_acc[:, :1]) * inv) / s_acc[:, :1]
        )
        out_ref[...] = jnp.broadcast_to(res, (B, LANES))


def _softmax_gathered(x, gt, xtok):
    return pl.pallas_call(
        _partials_body,
        grid=(NB,),
        in_specs=[
            pl.BlockSpec(memory_space=pltpu.SMEM),
            pl.BlockSpec((B, 1), lambda j: (0, 0)),
            pl.BlockSpec((B, CHUNK), lambda j: (0, j)),
        ],
        out_specs=pl.BlockSpec((B, LANES), lambda j: (0, 0)),
        out_shape=jax.ShapeDtypeStruct((B, LANES), jnp.float32),
        scratch_shapes=[
            pltpu.VMEM((B, LANES), jnp.float32),
            pltpu.VMEM((B, LANES), jnp.float32),
        ],
        compiler_params=pltpu.CompilerParams(
            dimension_semantics=("arbitrary",),
        ),
    )(gt, xtok, x)


def _make_sc_gather():
    mesh = plsc.VectorSubcoreMesh(core_axis_name="c", subcore_axis_name="s")

    @functools.partial(
        pl.kernel,
        mesh=mesh,
        out_type=jax.ShapeDtypeStruct((B,), jnp.float32),
        scratch_types=[
            pltpu.VMEM((B,), jnp.int32),
            pltpu.VMEM((B,), jnp.int32),
            pltpu.VMEM((B,), jnp.float32),
            pltpu.SemaphoreType.DMA,
        ],
    )
    def sc_gather(xf_hbm, tok_hbm, out_hbm, tok_v, idx_v, val_v, sem):
        wid = lax.axis_index("s") * 2 + lax.axis_index("c")

        @pl.when(wid == 0)
        def _():
            pltpu.sync_copy(tok_hbm, tok_v)
            iota = lax.iota(jnp.int32, SC_L)
            for g in range(B // SC_L):
                tok = tok_v[pl.ds(g * SC_L, SC_L)]
                idx_v[pl.ds(g * SC_L, SC_L)] = (iota + g * SC_L) * V + tok
            pltpu.async_copy(xf_hbm.at[idx_v], val_v, sem).wait()
            pltpu.sync_copy(val_v, out_hbm)

    return sc_gather


_SC_CACHE = []


def _sc_gather_call(*args):
    if not _SC_CACHE:
        _SC_CACHE.append(_make_sc_gather())
    return _SC_CACHE[0](*args)


def kernel(x, tokens, general_temp, top_temp):
    del top_temp
    gt = jnp.reshape(general_temp, (1, 1)).astype(jnp.float32)
    xtok = _sc_gather_call(x.reshape(B * V), tokens.astype(jnp.int32))
    out2d = _softmax_gathered(x, gt, xtok.reshape(B, 1))
    return out2d[:, 0]

# --- scband reference (transcript-rebuilt; emitter-appended) ---
"""Pipeline reference for scband-tiered-tsmodel-23476291240795 (READ-ONLY COPY).

The authoritative reference and input builder live on the scoring server;
editing this copy changes nothing except your own understanding.
"""

import jax, jax.numpy as jnp
import numpy as np

B = 64
V = 1000000

def setup_inputs(seed: int = 0) -> dict:
    key = jax.random.key(seed)
    k1, k2 = jax.random.split(key)
    x = jax.random.normal(k1, (B, V), dtype=jnp.float32)
    tokens = jax.random.randint(k2, (B,), 0, V, dtype=jnp.int64 if jax.config.jax_enable_x64 else jnp.int32)
    # learned parameters of TieredTSModel
    general_temp = jnp.asarray(1.0, dtype=jnp.float32)
    top_temp = jnp.asarray(1.0, dtype=jnp.float32)
    return {"x": x, "tokens": tokens, "general_temp": general_temp, "top_temp": top_temp}

def reference(x, tokens, general_temp, top_temp):
    # forward of TieredTSModel: x.div_(general_temp); top_temp_scale (no-op since
    # top_token_ids is None at construction / before set_tokens is called);
    # softmax over vocab dim; gather per-row token probability.
    xs = x / general_temp
    # top_token_ids is None by default -> top_temp scaling branch skipped
    p = jax.nn.softmax(xs, axis=1)
    out = jnp.take_along_axis(p, tokens[:, None], axis=1)[:, 0]
    return out

if __name__ == "__main__":
    import jax
    _d = setup_inputs()
    print(jax.jit(kernel)(*tuple(_d.values())))

</pallas_src>

<mosaic_0001>
#map = affine_map<(d0, d1) -> (0)>
module attributes {stable_mosaic.version = 14 : i64} {
  func.func @sc_gather(%arg0: i32, %arg1: i32, %arg2: memref<64000000xf32, #tpu.memory_space<hbm>>, %arg3: memref<64xi32, #tpu.memory_space<hbm>>, %arg4: memref<64xf32, #tpu.memory_space<hbm>>, %arg5: memref<64xi32, #tpu.memory_space<vmem>>, %arg6: memref<64xi32, #tpu.memory_space<vmem>>, %arg7: memref<64xf32, #tpu.memory_space<vmem>>, %arg8: memref<!tpu.dma_semaphore, #tpu.memory_space<semaphore_mem>>) attributes {dimension_semantics = [#tpu.dimension_semantics<core_parallel>, #tpu.dimension_semantics<subcore_parallel>], iteration_bounds = array<i64: 2, 16>, scalar_prefetch = 0 : i64, scratch_operands = 4 : i64, tpu.core_type = #tpu.core_type<sc_vector_subcore>, window_params = [{transform_indices = #map}, {transform_indices = #map}, {transform_indices = #map}]} {
    %mul3A = arith.constant 2 : i32
    %mul3A_0 = arith.muli %arg1, %mul3A : i32
    %add3A = arith.addi %mul3A_0, %arg0 : i32
    %eq3A = arith.constant 0 : i32
    %eq3A_1 = arith.cmpi eq, %add3A, %eq3A : i32
    %convert_element_type3A = arith.extui %eq3A_1 : i1 to i32
    %cond3A = arith.constant 0 : i32
    %cond3A_2 = arith.cmpi ne, %convert_element_type3A, %cond3A : i32
    scf.if %cond3A_2 {
      "tpu.region"() ({
        %run_scoped3A = tpu.sem_alloc : memref<!tpu.dma_semaphore, #tpu.memory_space<semaphore_mem>>
        tpu.enqueue_dma source(%arg3 : memref<64xi32, #tpu.memory_space<hbm>>) target(%arg5 : memref<64xi32, #tpu.memory_space<vmem>>) target_semaphore(%run_scoped3A : memref<!tpu.dma_semaphore, #tpu.memory_space<semaphore_mem>>)
        tpu.wait_dma2 semaphore(%run_scoped3A : memref<!tpu.dma_semaphore, #tpu.memory_space<semaphore_mem>>) src(%arg3 : memref<64xi32, #tpu.memory_space<hbm>>) dst(%arg5 : memref<64xi32, #tpu.memory_space<vmem>>)
        tpu.yield
      }) : () -> ()
      %iota3A = tpu.iota {dimensions = array<i32: 0>} : vector<16xi32>
      %get3A = arith.constant 0 : index
      %get3A_3 = tpu.vector_load %arg5[%get3A] {strides = array<i32>} : memref<64xi32, #tpu.memory_space<vmem>>, vector<16xi32>,
      %get3A_4 = vector.shape_cast %get3A_3 : vector<16xi32> to vector<16xi32>
      %add3A_5 = arith.constant 0 : i32
      %add3A_6 = vector.broadcast %add3A_5 : i32 to vector<16xi32>
      %add3A_7 = arith.addi %iota3A, %add3A_6 : vector<16xi32>
      %mul3A_8 = arith.constant 1000000 : i32
      %mul3A_9 = vector.broadcast %mul3A_8 : i32 to vector<16xi32>
      %mul3A_10 = arith.muli %add3A_7, %mul3A_9 : vector<16xi32>
      %add3A_11 = arith.addi %mul3A_10, %get3A_4 : vector<16xi32>
      %swap3A = arith.constant 0 : index
      %swap3A_12 = tpu.vector_load %arg6[%swap3A] {strides = array<i32>} : memref<64xi32, #tpu.memory_space<vmem>>, vector<16xi32>,
      %swap3A_13 = vector.shape_cast %swap3A_12 : vector<16xi32> to vector<16xi32>
      %swap3A_14 = vector.shape_cast %add3A_11 : vector<16xi32> to vector<16xi32>
      tpu.vector_store %arg6[%swap3A], %swap3A_14 {strides = array<i32>} : memref<64xi32, #tpu.memory_space<vmem>>, vector<16xi32>,
      %get3A_15 = arith.constant 16 : index
      %get3A_16 = tpu.vector_load %arg5[%get3A_15] {strides = array<i32>} : memref<64xi32, #tpu.memory_space<vmem>>, vector<16xi32>,
      %get3A_17 = vector.shape_cast %get3A_16 : vector<16xi32> to vector<16xi32>
      %add3A_18 = arith.constant 16 : i32
      %add3A_19 = vector.broadcast %add3A_18 : i32 to vector<16xi32>
      %add3A_20 = arith.addi %iota3A, %add3A_19 : vector<16xi32>
      %mul3A_21 = arith.constant 1000000 : i32
      %mul3A_22 = vector.broadcast %mul3A_21 : i32 to vector<16xi32>
      %mul3A_23 = arith.muli %add3A_20, %mul3A_22 : vector<16xi32>
      %add3A_24 = arith.addi %mul3A_23, %get3A_17 : vector<16xi32>
      %swap3A_25 = arith.constant 16 : index
      %swap3A_26 = tpu.vector_load %arg6[%swap3A_25] {strides = array<i32>} : memref<64xi32, #tpu.memory_space<vmem>>, vector<16xi32>,
      %swap3A_27 = vector.shape_cast %swap3A_26 : vector<16xi32> to vector<16xi32>
      %swap3A_28 = vector.shape_cast %add3A_24 : vector<16xi32> to vector<16xi32>
      tpu.vector_store %arg6[%swap3A_25], %swap3A_28 {strides = array<i32>} : memref<64xi32, #tpu.memory_space<vmem>>, vector<16xi32>,
      %get3A_29 = arith.constant 32 : index
      %get3A_30 = tpu.vector_load %arg5[%get3A_29] {strides = array<i32>} : memref<64xi32, #tpu.memory_space<vmem>>, vector<16xi32>,
      %get3A_31 = vector.shape_cast %get3A_30 : vector<16xi32> to vector<16xi32>
      %add3A_32 = arith.constant 32 : i32
      %add3A_33 = vector.broadcast %add3A_32 : i32 to vector<16xi32>
      %add3A_34 = arith.addi %iota3A, %add3A_33 : vector<16xi32>
      %mul3A_35 = arith.constant 1000000 : i32
      %mul3A_36 = vector.broadcast %mul3A_35 : i32 to vector<16xi32>
      %mul3A_37 = arith.muli %add3A_34, %mul3A_36 : vector<16xi32>
      %add3A_38 = arith.addi %mul3A_37, %get3A_31 : vector<16xi32>
      %swap3A_39 = arith.constant 32 : index
      %swap3A_40 = tpu.vector_load %arg6[%swap3A_39] {strides = array<i32>} : memref<64xi32, #tpu.memory_space<vmem>>, vector<16xi32>,
      %swap3A_41 = vector.shape_cast %swap3A_40 : vector<16xi32> to vector<16xi32>
      %swap3A_42 = vector.shape_cast %add3A_38 : vector<16xi32> to vector<16xi32>
      tpu.vector_store %arg6[%swap3A_39], %swap3A_42 {strides = array<i32>} : memref<64xi32, #tpu.memory_space<vmem>>, vector<16xi32>,
      %get3A_43 = arith.constant 48 : index
      %get3A_44 = tpu.vector_load %arg5[%get3A_43] {strides = array<i32>} : memref<64xi32, #tpu.memory_space<vmem>>, vector<16xi32>,
      %get3A_45 = vector.shape_cast %get3A_44 : vector<16xi32> to vector<16xi32>
      %add3A_46 = arith.constant 48 : i32
      %add3A_47 = vector.broadcast %add3A_46 : i32 to vector<16xi32>
      %add3A_48 = arith.addi %iota3A, %add3A_47 : vector<16xi32>
      %mul3A_49 = arith.constant 1000000 : i32
      %mul3A_50 = vector.broadcast %mul3A_49 : i32 to vector<16xi32>
      %mul3A_51 = arith.muli %add3A_48, %mul3A_50 : vector<16xi32>
      %add3A_52 = arith.addi %mul3A_51, %get3A_45 : vector<16xi32>
      %swap3A_53 = arith.constant 48 : index
      %swap3A_54 = tpu.vector_load %arg6[%swap3A_53] {strides = array<i32>} : memref<64xi32, #tpu.memory_space<vmem>>, vector<16xi32>,
      %swap3A_55 = vector.shape_cast %swap3A_54 : vector<16xi32> to vector<16xi32>
      %swap3A_56 = vector.shape_cast %add3A_52 : vector<16xi32> to vector<16xi32>
      tpu.vector_store %arg6[%swap3A_53], %swap3A_56 {strides = array<i32>} : memref<64xi32, #tpu.memory_space<vmem>>, vector<16xi32>,
      %dma_start3A = arith.constant 0 : i32
      %dma_start3A_57 = tpu.memref_slice %arg2[%dma_start3A] : memref<64000000xf32, #tpu.memory_space<hbm>> -> memref<64000000xf32, #tpu.memory_space<hbm>>
      tpu.enqueue_indirect_dma source(%dma_start3A_57 : memref<64000000xf32, #tpu.memory_space<hbm>>) target(%arg7 : memref<64xf32, #tpu.memory_space<vmem>>) offsets(%arg6 : memref<64xi32, #tpu.memory_space<vmem>>) semaphore(%arg8 : memref<!tpu.dma_semaphore, #tpu.memory_space<semaphore_mem>>)
      %dma_wait3A = arith.constant 0 : i32
      %dma_wait3A_58 = tpu.memref_slice %arg2[%dma_wait3A] : memref<64000000xf32, #tpu.memory_space<hbm>> -> memref<64000000xf32, #tpu.memory_space<hbm>>
      tpu.wait_indirect_dma semaphore(%arg8 : memref<!tpu.dma_semaphore, #tpu.memory_space<semaphore_mem>>) src(%dma_wait3A_58 : memref<64000000xf32, #tpu.memory_space<hbm>>) dst(%arg7 : memref<64xf32, #tpu.memory_space<vmem>>)
      "tpu.region"() ({
        %run_scoped3A = tpu.sem_alloc : memref<!tpu.dma_semaphore, #tpu.memory_space<semaphore_mem>>
        tpu.enqueue_dma source(%arg7 : memref<64xf32, #tpu.memory_space<vmem>>) target(%arg4 : memref<64xf32, #tpu.memory_space<hbm>>) target_semaphore(%run_scoped3A : memref<!tpu.dma_semaphore, #tpu.memory_space<semaphore_mem>>)
        tpu.wait_dma2 semaphore(%run_scoped3A : memref<!tpu.dma_semaphore, #tpu.memory_space<semaphore_mem>>) src(%arg7 : memref<64xf32, #tpu.memory_space<vmem>>) dst(%arg4 : memref<64xf32, #tpu.memory_space<hbm>>)
        tpu.yield
      }) : () -> ()
    } else {
    }
    return
  }
}

module attributes {stable_mosaic.version = 14 : i64} {
  func.func @_partials_body(%arg0: i32, %arg1: memref<1x1xf32, #tpu.memory_space<smem>>, %arg2: memref<64x1xf32, #tpu.memory_space<vmem>>, %arg3: memref<64x16384xf32, #tpu.memory_space<vmem>>, %arg4: memref<64x128xf32, #tpu.memory_space<vmem>>, %arg5: memref<64x128xf32, #tpu.memory_space<vmem>>, %arg6: memref<64x128xf32, #tpu.memory_space<vmem>>) attributes {dimension_semantics = [#tpu.dimension_semantics<arbitrary>], iteration_bounds = array<i64: 62>, scalar_prefetch = 0 : i64, scratch_operands = 2 : i64, tpu.core_type = #tpu.core_type<tc>, window_params = [{transform_indices = @transform_0, window_bounds = array<i64: 1, 1>}, {pipeline_mode = #tpu.pipeline_mode<synchronous>, transform_indices = @transform_1, window_bounds = array<i64: 64, 1>}, {transform_indices = @transform_2, window_bounds = array<i64: 64, 16384>}, {pipeline_mode = #tpu.pipeline_mode<synchronous>, transform_indices = @transform_3, window_bounds = array<i64: 64, 128>}]} {
    %eq3A = arith.constant 0 : i32
    %eq3A_0 = arith.cmpi eq, %arg0, %eq3A : i32
    %convert_element_type3A = arith.extui %eq3A_0 : i1 to i32
    %cond3A = arith.constant 0 : i32
    %cond3A_1 = arith.cmpi ne, %convert_element_type3A, %cond3A : i32
    scf.if %cond3A_1 {
      %broadcast_in_dim3A = arith.constant 0xFF800000 : f32
      %broadcast_in_dim3A_14 = vector.broadcast %broadcast_in_dim3A : f32 to vector<64x128xf32>
      %swap3A = arith.constant 0 : index
      %swap3A_15 = arith.constant 0 : index
      %swap3A_16 = vector.load %arg5[%swap3A, %swap3A_15] : memref<64x128xf32, #tpu.memory_space<vmem>>, vector<64x128xf32>
      tpu.vector_store %arg5[%swap3A, %swap3A_15], %broadcast_in_dim3A_14 {strides = array<i32>} : memref<64x128xf32, #tpu.memory_space<vmem>>, vector<64x128xf32>,
      %broadcast_in_dim3A_17 = arith.constant 0.000000e+00 : f32
      %broadcast_in_dim3A_18 = vector.broadcast %broadcast_in_dim3A_17 : f32 to vector<64x128xf32>
      %swap3A_19 = arith.constant 0 : index
      %swap3A_20 = arith.constant 0 : index
      %swap3A_21 = vector.load %arg6[%swap3A_19, %swap3A_20] : memref<64x128xf32, #tpu.memory_space<vmem>>, vector<64x128xf32>
      tpu.vector_store %arg6[%swap3A_19, %swap3A_20], %broadcast_in_dim3A_18 {strides = array<i32>} : memref<64x128xf32, #tpu.memory_space<vmem>>, vector<64x128xf32>,
    } else {
    }
    %get3A = arith.constant 0 : index
    %get3A_2 = arith.constant 0 : index
    %get3A_3 = memref.load %arg1[%get3A, %get3A_2] : memref<1x1xf32, #tpu.memory_space<smem>>
    %div3A = arith.constant 1.000000e+00 : f32
    %div3A_4 = arith.divf %div3A, %get3A_3 : f32
    %lt3A = arith.constant 61 : i32
    %lt3A_5 = arith.cmpi slt, %arg0, %lt3A : i32
    %convert_element_type3A_6 = arith.extui %lt3A_5 : i1 to i32
    %cond3A_7 = arith.constant 0 : i32
    %cond3A_8 = arith.cmpi ne, %convert_element_type3A_6, %cond3A_7 : i32
    scf.if %cond3A_8 {
      %get3A_14 = arith.constant 0 : index
      %get3A_15 = arith.constant 0 : index
      %get3A_16 = vector.load %arg3[%get3A_14, %get3A_15] : memref<64x16384xf32, #tpu.memory_space<vmem>>, vector<64x16384xf32>
      %reduce_max3A = arith.constant dense<0xFF800000> : vector<64xf32>
      %reduce_max3A_17 = vector.multi_reduction <maximumf>, %get3A_16, %reduce_max3A [1] : vector<64x16384xf32> to vector<64xf32>
      %broadcast_in_dim3A = vector.shape_cast %reduce_max3A_17 : vector<64xf32> to vector<64x1xf32>
      %get3A_18 = arith.constant 0 : index
      %get3A_19 = arith.constant 0 : index
      %get3A_20 = vector.load %arg5[%get3A_18, %get3A_19] : memref<64x128xf32, #tpu.memory_space<vmem>>, vector<64x1xf32>
      %max3A = arith.maximumf %get3A_20, %broadcast_in_dim3A : vector<64x1xf32>
      %broadcast_in_dim3A_21 = arith.constant 0.000000e+00 : f32
      %broadcast_in_dim3A_22 = vector.broadcast %broadcast_in_dim3A_21 : f32 to vector<64x128xf32>
      %scan3A = arith.constant 0 : i32
      %scan3A_23 = arith.constant 128 : i32
      %scan3A_24 = arith.addi %scan3A, %scan3A_23 : i32
      %scan3A_25 = arith.constant 8 : i32
      %scan3A_26 = scf.for %scan3A_40 = %scan3A to %scan3A_24 step %scan3A_25 iter_args(%scan3A_41 = %broadcast_in_dim3A_22) -> (vector<64x128xf32>)  : i32 {
        %mul3A_42 = arith.constant 128 : i32
        %mul3A_43 = arith.muli %scan3A_40, %mul3A_42 : i32
        %multiple_of3A = tpu.assume_multiple %mul3A_43, 128 : i32
        %get3A_44 = arith.constant 0 : index
        %get3A_45 = arith.index_cast %multiple_of3A : i32 to index
        %get3A_46 = vector.load %arg3[%get3A_44, %get3A_45] : memref<64x16384xf32, #tpu.memory_space<vmem>>, vector<64x128xf32>
        %sub3A_47 = vector.broadcast %max3A : vector<64x1xf32> to vector<64x128xf32>
        %sub3A_48 = arith.subf %get3A_46, %sub3A_47 : vector<64x128xf32>
        %mul3A_49 = vector.broadcast %div3A_4 : f32 to vector<64x128xf32>
        %mul3A_50 = arith.mulf %sub3A_48, %mul3A_49 : vector<64x128xf32>
        %exp3A_51 = math.exp %mul3A_50 : vector<64x128xf32>
        %add3A_52 = arith.addf %scan3A_41, %exp3A_51 : vector<64x128xf32>
        %scan3A_53 = arith.constant 1 : i32
        %scan3A_54 = arith.addi %scan3A_40, %scan3A_53 : i32
        %mul3A_55 = arith.constant 128 : i32
        %mul3A_56 = arith.muli %scan3A_54, %mul3A_55 : i32
        %multiple_of3A_57 = tpu.assume_multiple %mul3A_56, 128 : i32
        %get3A_58 = arith.constant 0 : index
        %get3A_59 = arith.index_cast %multiple_of3A_57 : i32 to index
        %get3A_60 = vector.load %arg3[%get3A_58, %get3A_59] : memref<64x16384xf32, #tpu.memory_space<vmem>>, vector<64x128xf32>
        %sub3A_61 = vector.broadcast %max3A : vector<64x1xf32> to vector<64x128xf32>
        %sub3A_62 = arith.subf %get3A_60, %sub3A_61 : vector<64x128xf32>
        %mul3A_63 = vector.broadcast %div3A_4 : f32 to vector<64x128xf32>
        %mul3A_64 = arith.mulf %sub3A_62, %mul3A_63 : vector<64x128xf32>
        %exp3A_65 = math.exp %mul3A_64 : vector<64x128xf32>
        %add3A_66 = arith.addf %add3A_52, %exp3A_65 : vector<64x128xf32>
        %scan3A_67 = arith.constant 2 : i32
        %scan3A_68 = arith.addi %scan3A_40, %scan3A_67 : i32
        %mul3A_69 = arith.constant 128 : i32
        %mul3A_70 = arith.muli %scan3A_68, %mul3A_69 : i32
        %multiple_of3A_71 = tpu.assume_multiple %mul3A_70, 128 : i32
        %get3A_72 = arith.constant 0 : index
        %get3A_73 = arith.index_cast %multiple_of3A_71 : i32 to index
        %get3A_74 = vector.load %arg3[%get3A_72, %get3A_73] : memref<64x16384xf32, #tpu.memory_space<vmem>>, vector<64x128xf32>
        %sub3A_75 = vector.broadcast %max3A : vector<64x1xf32> to vector<64x128xf32>
        %sub3A_76 = arith.subf %get3A_74, %sub3A_75 : vector<64x128xf32>
        %mul3A_77 = vector.broadcast %div3A_4 : f32 to vector<64x128xf32>
        %mul3A_78 = arith.mulf %sub3A_76, %mul3A_77 : vector<64x128xf32>
        %exp3A_79 = math.exp %mul3A_78 : vector<64x128xf32>
        %add3A_80 = arith.addf %add3A_66, %exp3A_79 : vector<64x128xf32>
        %scan3A_81 = arith.constant 3 : i32
        %scan3A_82 = arith.addi %scan3A_40, %scan3A_81 : i32
        %mul3A_83 = arith.constant 128 : i32
        %mul3A_84 = arith.muli %scan3A_82, %mul3A_83 : i32
        %multiple_of3A_85 = tpu.assume_multiple %mul3A_84, 128 : i32
        %get3A_86 = arith.constant 0 : index
        %get3A_87 = arith.index_cast %multiple_of3A_85 : i32 to index
        %get3A_88 = vector.load %arg3[%get3A_86, %get3A_87] : memref<64x16384xf32, #tpu.memory_space<vmem>>, vector<64x128xf32>
        %sub3A_89 = vector.broadcast %max3A : vector<64x1xf32> to vector<64x128xf32>
        %sub3A_90 = arith.subf %get3A_88, %sub3A_89 : vector<64x128xf32>
        %mul3A_91 = vector.broadcast %div3A_4 : f32 to vector<64x128xf32>
        %mul3A_92 = arith.mulf %sub3A_90, %mul3A_91 : vector<64x128xf32>
        %exp3A_93 = math.exp %mul3A_92 : vector<64x128xf32>
        %add3A_94 = arith.addf %add3A_80, %exp3A_93 : vector<64x128xf32>
        %scan3A_95 = arith.constant 4 : i32
        %scan3A_96 = arith.addi %scan3A_40, %scan3A_95 : i32
        %mul3A_97 = arith.constant 128 : i32
        %mul3A_98 = arith.muli %scan3A_96, %mul3A_97 : i32
        %multiple_of3A_99 = tpu.assume_multiple %mul3A_98, 128 : i32
        %get3A_100 = arith.constant 0 : index
        %get3A_101 = arith.index_cast %multiple_of3A_99 : i32 to index
        %get3A_102 = vector.load %arg3[%get3A_100, %get3A_101] : memref<64x16384xf32, #tpu.memory_space<vmem>>, vector<64x128xf32>
        %sub3A_103 = vector.broadcast %max3A : vector<64x1xf32> to vector<64x128xf32>
        %sub3A_104 = arith.subf %get3A_102, %sub3A_103 : vector<64x128xf32>
        %mul3A_105 = vector.broadcast %div3A_4 : f32 to vector<64x128xf32>
        %mul3A_106 = arith.mulf %sub3A_104, %mul3A_105 : vector<64x128xf32>
        %exp3A_107 = math.exp %mul3A_106 : vector<64x128xf32>
        %add3A_108 = arith.addf %add3A_94, %exp3A_107 : vector<64x128xf32>
        %scan3A_109 = arith.constant 5 : i32
        %scan3A_110 = arith.addi %scan3A_40, %scan3A_109 : i32
        %mul3A_111 = arith.constant 128 : i32
        %mul3A_112 = arith.muli %scan3A_110, %mul3A_111 : i32
        %multiple_of3A_113 = tpu.assume_multiple %mul3A_112, 128 : i32
        %get3A_114 = arith.constant 0 : index
        %get3A_115 = arith.index_cast %multiple_of3A_113 : i32 to index
        %get3A_116 = vector.load %arg3[%get3A_114, %get3A_115] : memref<64x16384xf32, #tpu.memory_space<vmem>>, vector<64x128xf32>
        %sub3A_117 = vector.broadcast %max3A : vector<64x1xf32> to vector<64x128xf32>
        %sub3A_118 = arith.subf %get3A_116, %sub3A_117 : vector<64x128xf32>
        %mul3A_119 = vector.broadcast %div3A_4 : f32 to vector<64x128xf32>
        %mul3A_120 = arith.mulf %sub3A_118, %mul3A_119 : vector<64x128xf32>
        %exp3A_121 = math.exp %mul3A_120 : vector<64x128xf32>
        %add3A_122 = arith.addf %add3A_108, %exp3A_121 : vector<64x128xf32>
        %scan3A_123 = arith.constant 6 : i32
        %scan3A_124 = arith.addi %scan3A_40, %scan3A_123 : i32
        %mul3A_125 = arith.constant 128 : i32
        %mul3A_126 = arith.muli %scan3A_124, %mul3A_125 : i32
        %multiple_of3A_127 = tpu.assume_multiple %mul3A_126, 128 : i32
        %get3A_128 = arith.constant 0 : index
        %get3A_129 = arith.index_cast %multiple_of3A_127 : i32 to index
        %get3A_130 = vector.load %arg3[%get3A_128, %get3A_129] : memref<64x16384xf32, #tpu.memory_space<vmem>>, vector<64x128xf32>
        %sub3A_131 = vector.broadcast %max3A : vector<64x1xf32> to vector<64x128xf32>
        %sub3A_132 = arith.subf %get3A_130, %sub3A_131 : vector<64x128xf32>
        %mul3A_133 = vector.broadcast %div3A_4 : f32 to vector<64x128xf32>
        %mul3A_134 = arith.mulf %sub3A_132, %mul3A_133 : vector<64x128xf32>
        %exp3A_135 = math.exp %mul3A_134 : vector<64x128xf32>
        %add3A_136 = arith.addf %add3A_122, %exp3A_135 : vector<64x128xf32>
        %scan3A_137 = arith.constant 7 : i32
        %scan3A_138 = arith.addi %scan3A_40, %scan3A_137 : i32
        %mul3A_139 = arith.constant 128 : i32
        %mul3A_140 = arith.muli %scan3A_138, %mul3A_139 : i32
        %multiple_of3A_141 = tpu.assume_multiple %mul3A_140, 128 : i32
        %get3A_142 = arith.constant 0 : index
        %get3A_143 = arith.index_cast %multiple_of3A_141 : i32 to index
        %get3A_144 = vector.load %arg3[%get3A_142, %get3A_143] : memref<64x16384xf32, #tpu.memory_space<vmem>>, vector<64x128xf32>
        %sub3A_145 = vector.broadcast %max3A : vector<64x1xf32> to vector<64x128xf32>
        %sub3A_146 = arith.subf %get3A_144, %sub3A_145 : vector<64x128xf32>
        %mul3A_147 = vector.broadcast %div3A_4 : f32 to vector<64x128xf32>
        %mul3A_148 = arith.mulf %sub3A_146, %mul3A_147 : vector<64x128xf32>
        %exp3A_149 = math.exp %mul3A_148 : vector<64x128xf32>
        %add3A_150 = arith.addf %add3A_136, %exp3A_149 : vector<64x128xf32>
        scf.yield %add3A_150 : vector<64x128xf32>
      }
      %scan3A_27 = arith.constant 128 : i32
      %reduce_sum3A = arith.constant dense<0.000000e+00> : vector<64xf32>
      %reduce_sum3A_28 = vector.multi_reduction <add>, %scan3A_26, %reduce_sum3A [1] : vector<64x128xf32> to vector<64xf32>
      %broadcast_in_dim3A_29 = vector.shape_cast %reduce_sum3A_28 : vector<64xf32> to vector<64x1xf32>
      %get3A_30 = arith.constant 0 : index
      %get3A_31 = arith.constant 0 : index
      %get3A_32 = vector.load %arg6[%get3A_30, %get3A_31] : memref<64x128xf32, #tpu.memory_space<vmem>>, vector<64x1xf32>
      %sub3A = arith.subf %get3A_20, %max3A : vector<64x1xf32>
      %mul3A = vector.broadcast %div3A_4 : f32 to vector<64x1xf32>
      %mul3A_33 = arith.mulf %sub3A, %mul3A : vector<64x1xf32>
      %exp3A = math.exp %mul3A_33 : vector<64x1xf32>
      %mul3A_34 = arith.mulf %get3A_32, %exp3A : vector<64x1xf32>
      %add3A = arith.addf %mul3A_34, %broadcast_in_dim3A_29 : vector<64x1xf32>
      %swap3A = arith.constant 0 : index
      %swap3A_35 = arith.constant 0 : index
      %swap3A_36 = vector.load %arg6[%swap3A, %swap3A_35] : memref<64x128xf32, #tpu.memory_space<vmem>>, vector<64x1xf32>
      tpu.vector_store %arg6[%swap3A, %swap3A_35], %add3A {strides = array<i32>} : memref<64x128xf32, #tpu.memory_space<vmem>>, vector<64x1xf32>,
      %swap3A_37 = arith.constant 0 : index
      %swap3A_38 = arith.constant 0 : index
      %swap3A_39 = vector.load %arg5[%swap3A_37, %swap3A_38] : memref<64x128xf32, #tpu.memory_space<vmem>>, vector<64x1xf32>
      tpu.vector_store %arg5[%swap3A_37, %swap3A_38], %max3A {strides = array<i32>} : memref<64x128xf32, #tpu.memory_space<vmem>>, vector<64x1xf32>,
    } else {
    }
    %eq3A_9 = arith.constant 61 : i32
    %eq3A_10 = arith.cmpi eq, %arg0, %eq3A_9 : i32
    %convert_element_type3A_11 = arith.extui %eq3A_10 : i1 to i32
    %cond3A_12 = arith.constant 0 : i32
    %cond3A_13 = arith.cmpi ne, %convert_element_type3A_11, %cond3A_12 : i32
    scf.if %cond3A_13 {
      %iota3A = tpu.iota {dimensions = array<i32: 1>} : vector<64x16384xi32>
      %mul3A = arith.constant 16384 : i32
      %mul3A_14 = arith.muli %arg0, %mul3A : i32
      %add3A = vector.broadcast %mul3A_14 : i32 to vector<64x16384xi32>
      %add3A_15 = arith.addi %iota3A, %add3A : vector<64x16384xi32>
      %lt3A_16 = arith.constant 1000000 : i32
      %lt3A_17 = vector.broadcast %lt3A_16 : i32 to vector<64x16384xi32>
      %lt3A_18 = arith.cmpi slt, %add3A_15, %lt3A_17 : vector<64x16384xi32>
      %get3A_19 = arith.constant 0 : index
      %get3A_20 = arith.constant 0 : index
      %get3A_21 = vector.load %arg3[%get3A_19, %get3A_20] : memref<64x16384xf32, #tpu.memory_space<vmem>>, vector<64x16384xf32>
      %jit3A = arith.constant 0xFF800000 : f32
      %broadcast_in_dim3A = vector.broadcast %jit3A : f32 to vector<64x16384xf32>
      %select_n3A = arith.select %lt3A_18, %get3A_21, %broadcast_in_dim3A : vector<64x16384xi1>, vector<64x16384xf32>
      %reduce_max3A = arith.constant dense<0xFF800000> : vector<64xf32>
      %reduce_max3A_22 = vector.multi_reduction <maximumf>, %select_n3A, %reduce_max3A [1] : vector<64x16384xf32> to vector<64xf32>
      %broadcast_in_dim3A_23 = vector.shape_cast %reduce_max3A_22 : vector<64xf32> to vector<64x1xf32>
      %iota3A_24 = tpu.iota {dimensions = array<i32: 1>} : vector<64x128xi32>
      %get3A_25 = arith.constant 0 : index
      %get3A_26 = arith.constant 0 : index
      %get3A_27 = vector.load %arg5[%get3A_25, %get3A_26] : memref<64x128xf32, #tpu.memory_space<vmem>>, vector<64x1xf32>
      %max3A = arith.maximumf %get3A_27, %broadcast_in_dim3A_23 : vector<64x1xf32>
      %broadcast_in_dim3A_28 = arith.constant 0.000000e+00 : f32
      %broadcast_in_dim3A_29 = vector.broadcast %broadcast_in_dim3A_28 : f32 to vector<64x128xf32>
      %scan3A = arith.constant 0 : i32
      %scan3A_30 = arith.constant 128 : i32
      %scan3A_31 = arith.addi %scan3A, %scan3A_30 : i32
      %scan3A_32 = arith.constant 8 : i32
      %scan3A_33 = scf.for %scan3A_68 = %scan3A to %scan3A_31 step %scan3A_32 iter_args(%scan3A_69 = %broadcast_in_dim3A_29) -> (vector<64x128xf32>)  : i32 {
        %mul3A_70 = arith.constant 128 : i32
        %mul3A_71 = arith.muli %scan3A_68, %mul3A_70 : i32
        %multiple_of3A = tpu.assume_multiple %mul3A_71, 128 : i32
        %get3A_72 = arith.constant 0 : index
        %get3A_73 = arith.index_cast %multiple_of3A : i32 to index
        %get3A_74 = vector.load %arg3[%get3A_72, %get3A_73] : memref<64x16384xf32, #tpu.memory_space<vmem>>, vector<64x128xf32>
        %mul3A_75 = arith.constant 128 : i32
        %mul3A_76 = arith.muli %scan3A_68, %mul3A_75 : i32
        %add3A_77 = vector.broadcast %mul3A_76 : i32 to vector<64x128xi32>
        %add3A_78 = arith.addi %iota3A_24, %add3A_77 : vector<64x128xi32>
        %mul3A_79 = arith.constant 16384 : i32
        %mul3A_80 = arith.muli %arg0, %mul3A_79 : i32
        %add3A_81 = vector.broadcast %mul3A_80 : i32 to vector<64x128xi32>
        %add3A_82 = arith.addi %add3A_78, %add3A_81 : vector<64x128xi32>
        %lt3A_83 = arith.constant 1000000 : i32
        %lt3A_84 = vector.broadcast %lt3A_83 : i32 to vector<64x128xi32>
        %lt3A_85 = arith.cmpi slt, %add3A_82, %lt3A_84 : vector<64x128xi32>
        %jit3A_86 = arith.constant 0xFF800000 : f32
        %broadcast_in_dim3A_87 = vector.broadcast %jit3A_86 : f32 to vector<64x128xf32>
        %select_n3A_88 = arith.select %lt3A_85, %get3A_74, %broadcast_in_dim3A_87 : vector<64x128xi1>, vector<64x128xf32>
        %sub3A_89 = vector.broadcast %max3A : vector<64x1xf32> to vector<64x128xf32>
        %sub3A_90 = arith.subf %select_n3A_88, %sub3A_89 : vector<64x128xf32>
        %mul3A_91 = vector.broadcast %div3A_4 : f32 to vector<64x128xf32>
        %mul3A_92 = arith.mulf %sub3A_90, %mul3A_91 : vector<64x128xf32>
        %exp3A_93 = math.exp %mul3A_92 : vector<64x128xf32>
        %add3A_94 = arith.addf %scan3A_69, %exp3A_93 : vector<64x128xf32>
        %scan3A_95 = arith.constant 1 : i32
        %scan3A_96 = arith.addi %scan3A_68, %scan3A_95 : i32
        %mul3A_97 = arith.constant 128 : i32
        %mul3A_98 = arith.muli %scan3A_96, %mul3A_97 : i32
        %multiple_of3A_99 = tpu.assume_multiple %mul3A_98, 128 : i32
        %get3A_100 = arith.constant 0 : index
        %get3A_101 = arith.index_cast %multiple_of3A_99 : i32 to index
        %get3A_102 = vector.load %arg3[%get3A_100, %get3A_101] : memref<64x16384xf32, #tpu.memory_space<vmem>>, vector<64x128xf32>
        %mul3A_103 = arith.constant 128 : i32
        %mul3A_104 = arith.muli %scan3A_96, %mul3A_103 : i32
        %add3A_105 = vector.broadcast %mul3A_104 : i32 to vector<64x128xi32>
        %add3A_106 = arith.addi %iota3A_24, %add3A_105 : vector<64x128xi32>
        %mul3A_107 = arith.constant 16384 : i32
        %mul3A_108 = arith.muli %arg0, %mul3A_107 : i32
        %add3A_109 = vector.broadcast %mul3A_108 : i32 to vector<64x128xi32>
        %add3A_110 = arith.addi %add3A_106, %add3A_109 : vector<64x128xi32>
        %lt3A_111 = arith.constant 1000000 : i32
        %lt3A_112 = vector.broadcast %lt3A_111 : i32 to vector<64x128xi32>
        %lt3A_113 = arith.cmpi slt, %add3A_110, %lt3A_112 : vector<64x128xi32>
        %jit3A_114 = arith.constant 0xFF800000 : f32
        %broadcast_in_dim3A_115 = vector.broadcast %jit3A_114 : f32 to vector<64x128xf32>
        %select_n3A_116 = arith.select %lt3A_113, %get3A_102, %broadcast_in_dim3A_115 : vector<64x128xi1>, vector<64x128xf32>
        %sub3A_117 = vector.broadcast %max3A : vector<64x1xf32> to vector<64x128xf32>
        %sub3A_118 = arith.subf %select_n3A_116, %sub3A_117 : vector<64x128xf32>
        %mul3A_119 = vector.broadcast %div3A_4 : f32 to vector<64x128xf32>
        %mul3A_120 = arith.mulf %sub3A_118, %mul3A_119 : vector<64x128xf32>
        %exp3A_121 = math.exp %mul3A_120 : vector<64x128xf32>
        %add3A_122 = arith.addf %add3A_94, %exp3A_121 : vector<64x128xf32>
        %scan3A_123 = arith.constant 2 : i32
        %scan3A_124 = arith.addi %scan3A_68, %scan3A_123 : i32
        %mul3A_125 = arith.constant 128 : i32
        %mul3A_126 = arith.muli %scan3A_124, %mul3A_125 : i32
        %multiple_of3A_127 = tpu.assume_multiple %mul3A_126, 128 : i32
        %get3A_128 = arith.constant 0 : index
        %get3A_129 = arith.index_cast %multiple_of3A_127 : i32 to index
        %get3A_130 = vector.load %arg3[%get3A_128, %get3A_129] : memref<64x16384xf32, #tpu.memory_space<vmem>>, vector<64x128xf32>
        %mul3A_131 = arith.constant 128 : i32
        %mul3A_132 = arith.muli %scan3A_124, %mul3A_131 : i32
        %add3A_133 = vector.broadcast %mul3A_132 : i32 to vector<64x128xi32>
        %add3A_134 = arith.addi %iota3A_24, %add3A_133 : vector<64x128xi32>
        %mul3A_135 = arith.constant 16384 : i32
        %mul3A_136 = arith.muli %arg0, %mul3A_135 : i32
        %add3A_137 = vector.broadcast %mul3A_136 : i32 to vector<64x128xi32>
        %add3A_138 = arith.addi %add3A_134, %add3A_137 : vector<64x128xi32>
        %lt3A_139 = arith.constant 1000000 : i32
        %lt3A_140 = vector.broadcast %lt3A_139 : i32 to vector<64x128xi32>
        %lt3A_141 = arith.cmpi slt, %add3A_138, %lt3A_140 : vector<64x128xi32>
        %jit3A_142 = arith.constant 0xFF800000 : f32
        %broadcast_in_dim3A_143 = vector.broadcast %jit3A_142 : f32 to vector<64x128xf32>
        %select_n3A_144 = arith.select %lt3A_141, %get3A_130, %broadcast_in_dim3A_143 : vector<64x128xi1>, vector<64x128xf32>
        %sub3A_145 = vector.broadcast %max3A : vector<64x1xf32> to vector<64x128xf32>
        %sub3A_146 = arith.subf %select_n3A_144, %sub3A_145 : vector<64x128xf32>
        %mul3A_147 = vector.broadcast %div3A_4 : f32 to vector<64x128xf32>
        %mul3A_148 = arith.mulf %sub3A_146, %mul3A_147 : vector<64x128xf32>
        %exp3A_149 = math.exp %mul3A_148 : vector<64x128xf32>
        %add3A_150 = arith.addf %add3A_122, %exp3A_149 : vector<64x128xf32>
        %scan3A_151 = arith.constant 3 : i32
        %scan3A_152 = arith.addi %scan3A_68, %scan3A_151 : i32
        %mul3A_153 = arith.constant 128 : i32
        %mul3A_154 = arith.muli %scan3A_152, %mul3A_153 : i32
        %multiple_of3A_155 = tpu.assume_multiple %mul3A_154, 128 : i32
        %get3A_156 = arith.constant 0 : index
        %get3A_157 = arith.index_cast %multiple_of3A_155 : i32 to index
        %get3A_158 = vector.load %arg3[%get3A_156, %get3A_157] : memref<64x16384xf32, #tpu.memory_space<vmem>>, vector<64x128xf32>
        %mul3A_159 = arith.constant 128 : i32
        %mul3A_160 = arith.muli %scan3A_152, %mul3A_159 : i32
        %add3A_161 = vector.broadcast %mul3A_160 : i32 to vector<64x128xi32>
        %add3A_162 = arith.addi %iota3A_24, %add3A_161 : vector<64x128xi32>
        %mul3A_163 = arith.constant 16384 : i32
        %mul3A_164 = arith.muli %arg0, %mul3A_163 : i32
        %add3A_165 = vector.broadcast %mul3A_164 : i32 to vector<64x128xi32>
        %add3A_166 = arith.addi %add3A_162, %add3A_165 : vector<64x128xi32>
        %lt3A_167 = arith.constant 1000000 : i32
        %lt3A_168 = vector.broadcast %lt3A_167 : i32 to vector<64x128xi32>
        %lt3A_169 = arith.cmpi slt, %add3A_166, %lt3A_168 : vector<64x128xi32>
        %jit3A_170 = arith.constant 0xFF800000 : f32
        %broadcast_in_dim3A_171 = vector.broadcast %jit3A_170 : f32 to vector<64x128xf32>
        %select_n3A_172 = arith.select %lt3A_169, %get3A_158, %broadcast_in_dim3A_171 : vector<64x128xi1>, vector<64x128xf32>
        %sub3A_173 = vector.broadcast %max3A : vector<64x1xf32> to vector<64x128xf32>
        %sub3A_174 = arith.subf %select_n3A_172, %sub3A_173 : vector<64x128xf32>
        %mul3A_175 = vector.broadcast %div3A_4 : f32 to vector<64x128xf32>
        %mul3A_176 = arith.mulf %sub3A_174, %mul3A_175 : vector<64x128xf32>
        %exp3A_177 = math.exp %mul3A_176 : vector<64x128xf32>
        %add3A_178 = arith.addf %add3A_150, %exp3A_177 : vector<64x128xf32>
        %scan3A_179 = arith.constant 4 : i32
        %scan3A_180 = arith.addi %scan3A_68, %scan3A_179 : i32
        %mul3A_181 = arith.constant 128 : i32
        %mul3A_182 = arith.muli %scan3A_180, %mul3A_181 : i32
        %multiple_of3A_183 = tpu.assume_multiple %mul3A_182, 128 : i32
        %get3A_184 = arith.constant 0 : index
        %get3A_185 = arith.index_cast %multiple_of3A_183 : i32 to index
        %get3A_186 = vector.load %arg3[%get3A_184, %get3A_185] : memref<64x16384xf32, #tpu.memory_space<vmem>>, vector<64x128xf32>
        %mul3A_187 = arith.constant 128 : i32
        %mul3A_188 = arith.muli %scan3A_180, %mul3A_187 : i32
        %add3A_189 = vector.broadcast %mul3A_188 : i32 to vector<64x128xi32>
        %add3A_190 = arith.addi %iota3A_24, %add3A_189 : vector<64x128xi32>
        %mul3A_191 = arith.constant 16384 : i32
        %mul3A_192 = arith.muli %arg0, %mul3A_191 : i32
        %add3A_193 = vector.broadcast %mul3A_192 : i32 to vector<64x128xi32>
        %add3A_194 = arith.addi %add3A_190, %add3A_193 : vector<64x128xi32>
        %lt3A_195 = arith.constant 1000000 : i32
        %lt3A_196 = vector.broadcast %lt3A_195 : i32 to vector<64x128xi32>
        %lt3A_197 = arith.cmpi slt, %add3A_194, %lt3A_196 : vector<64x128xi32>
        %jit3A_198 = arith.constant 0xFF800000 : f32
        %broadcast_in_dim3A_199 = vector.broadcast %jit3A_198 : f32 to vector<64x128xf32>
        %select_n3A_200 = arith.select %lt3A_197, %get3A_186, %broadcast_in_dim3A_199 : vector<64x128xi1>, vector<64x128xf32>
        %sub3A_201 = vector.broadcast %max3A : vector<64x1xf32> to vector<64x128xf32>
        %sub3A_202 = arith.subf %select_n3A_200, %sub3A_201 : vector<64x128xf32>
        %mul3A_203 = vector.broadcast %div3A_4 : f32 to vector<64x128xf32>
        %mul3A_204 = arith.mulf %sub3A_202, %mul3A_203 : vector<64x128xf32>
        %exp3A_205 = math.exp %mul3A_204 : vector<64x128xf32>
        %add3A_206 = arith.addf %add3A_178, %exp3A_205 : vector<64x128xf32>
        %scan3A_207 = arith.constant 5 : i32
        %scan3A_208 = arith.addi %scan3A_68, %scan3A_207 : i32
        %mul3A_209 = arith.constant 128 : i32
        %mul3A_210 = arith.muli %scan3A_208, %mul3A_209 : i32
        %multiple_of3A_211 = tpu.assume_multiple %mul3A_210, 128 : i32
        %get3A_212 = arith.constant 0 : index
        %get3A_213 = arith.index_cast %multiple_of3A_211 : i32 to index
        %get3A_214 = vector.load %arg3[%get3A_212, %get3A_213] : memref<64x16384xf32, #tpu.memory_space<vmem>>, vector<64x128xf32>
        %mul3A_215 = arith.constant 128 : i32
        %mul3A_216 = arith.muli %scan3A_208, %mul3A_215 : i32
        %add3A_217 = vector.broadcast %mul3A_216 : i32 to vector<64x128xi32>
        %add3A_218 = arith.addi %iota3A_24, %add3A_217 : vector<64x128xi32>
        %mul3A_219 = arith.constant 16384 : i32
        %mul3A_220 = arith.muli %arg0, %mul3A_219 : i32
        %add3A_221 = vector.broadcast %mul3A_220 : i32 to vector<64x128xi32>
        %add3A_222 = arith.addi %add3A_218, %add3A_221 : vector<64x128xi32>
        %lt3A_223 = arith.constant 1000000 : i32
        %lt3A_224 = vector.broadcast %lt3A_223 : i32 to vector<64x128xi32>
        %lt3A_225 = arith.cmpi slt, %add3A_222, %lt3A_224 : vector<64x128xi32>
        %jit3A_226 = arith.constant 0xFF800000 : f32
        %broadcast_in_dim3A_227 = vector.broadcast %jit3A_226 : f32 to vector<64x128xf32>
        %select_n3A_228 = arith.select %lt3A_225, %get3A_214, %broadcast_in_dim3A_227 : vector<64x128xi1>, vector<64x128xf32>
        %sub3A_229 = vector.broadcast %max3A : vector<64x1xf32> to vector<64x128xf32>
        %sub3A_230 = arith.subf %select_n3A_228, %sub3A_229 : vector<64x128xf32>
        %mul3A_231 = vector.broadcast %div3A_4 : f32 to vector<64x128xf32>
        %mul3A_232 = arith.mulf %sub3A_230, %mul3A_231 : vector<64x128xf32>
        %exp3A_233 = math.exp %mul3A_232 : vector<64x128xf32>
        %add3A_234 = arith.addf %add3A_206, %exp3A_233 : vector<64x128xf32>
        %scan3A_235 = arith.constant 6 : i32
        %scan3A_236 = arith.addi %scan3A_68, %scan3A_235 : i32
        %mul3A_237 = arith.constant 128 : i32
        %mul3A_238 = arith.muli %scan3A_236, %mul3A_237 : i32
        %multiple_of3A_239 = tpu.assume_multiple %mul3A_238, 128 : i32
        %get3A_240 = arith.constant 0 : index
        %get3A_241 = arith.index_cast %multiple_of3A_239 : i32 to index
        %get3A_242 = vector.load %arg3[%get3A_240, %get3A_241] : memref<64x16384xf32, #tpu.memory_space<vmem>>, vector<64x128xf32>
        %mul3A_243 = arith.constant 128 : i32
        %mul3A_244 = arith.muli %scan3A_236, %mul3A_243 : i32
        %add3A_245 = vector.broadcast %mul3A_244 : i32 to vector<64x128xi32>
        %add3A_246 = arith.addi %iota3A_24, %add3A_245 : vector<64x128xi32>
        %mul3A_247 = arith.constant 16384 : i32
        %mul3A_248 = arith.muli %arg0, %mul3A_247 : i32
        %add3A_249 = vector.broadcast %mul3A_248 : i32 to vector<64x128xi32>
        %add3A_250 = arith.addi %add3A_246, %add3A_249 : vector<64x128xi32>
        %lt3A_251 = arith.constant 1000000 : i32
        %lt3A_252 = vector.broadcast %lt3A_251 : i32 to vector<64x128xi32>
        %lt3A_253 = arith.cmpi slt, %add3A_250, %lt3A_252 : vector<64x128xi32>
        %jit3A_254 = arith.constant 0xFF800000 : f32
        %broadcast_in_dim3A_255 = vector.broadcast %jit3A_254 : f32 to vector<64x128xf32>
        %select_n3A_256 = arith.select %lt3A_253, %get3A_242, %broadcast_in_dim3A_255 : vector<64x128xi1>, vector<64x128xf32>
        %sub3A_257 = vector.broadcast %max3A : vector<64x1xf32> to vector<64x128xf32>
        %sub3A_258 = arith.subf %select_n3A_256, %sub3A_257 : vector<64x128xf32>
        %mul3A_259 = vector.broadcast %div3A_4 : f32 to vector<64x128xf32>
        %mul3A_260 = arith.mulf %sub3A_258, %mul3A_259 : vector<64x128xf32>
        %exp3A_261 = math.exp %mul3A_260 : vector<64x128xf32>
        %add3A_262 = arith.addf %add3A_234, %exp3A_261 : vector<64x128xf32>
        %scan3A_263 = arith.constant 7 : i32
        %scan3A_264 = arith.addi %scan3A_68, %scan3A_263 : i32
        %mul3A_265 = arith.constant 128 : i32
        %mul3A_266 = arith.muli %scan3A_264, %mul3A_265 : i32
        %multiple_of3A_267 = tpu.assume_multiple %mul3A_266, 128 : i32
        %get3A_268 = arith.constant 0 : index
        %get3A_269 = arith.index_cast %multiple_of3A_267 : i32 to index
        %get3A_270 = vector.load %arg3[%get3A_268, %get3A_269] : memref<64x16384xf32, #tpu.memory_space<vmem>>, vector<64x128xf32>
        %mul3A_271 = arith.constant 128 : i32
        %mul3A_272 = arith.muli %scan3A_264, %mul3A_271 : i32
        %add3A_273 = vector.broadcast %mul3A_272 : i32 to vector<64x128xi32>
        %add3A_274 = arith.addi %iota3A_24, %add3A_273 : vector<64x128xi32>
        %mul3A_275 = arith.constant 16384 : i32
        %mul3A_276 = arith.muli %arg0, %mul3A_275 : i32
        %add3A_277 = vector.broadcast %mul3A_276 : i32 to vector<64x128xi32>
        %add3A_278 = arith.addi %add3A_274, %add3A_277 : vector<64x128xi32>
        %lt3A_279 = arith.constant 1000000 : i32
        %lt3A_280 = vector.broadcast %lt3A_279 : i32 to vector<64x128xi32>
        %lt3A_281 = arith.cmpi slt, %add3A_278, %lt3A_280 : vector<64x128xi32>
        %jit3A_282 = arith.constant 0xFF800000 : f32
        %broadcast_in_dim3A_283 = vector.broadcast %jit3A_282 : f32 to vector<64x128xf32>
        %select_n3A_284 = arith.select %lt3A_281, %get3A_270, %broadcast_in_dim3A_283 : vector<64x128xi1>, vector<64x128xf32>
        %sub3A_285 = vector.broadcast %max3A : vector<64x1xf32> to vector<64x128xf32>
        %sub3A_286 = arith.subf %select_n3A_284, %sub3A_285 : vector<64x128xf32>
        %mul3A_287 = vector.broadcast %div3A_4 : f32 to vector<64x128xf32>
        %mul3A_288 = arith.mulf %sub3A_286, %mul3A_287 : vector<64x128xf32>
        %exp3A_289 = math.exp %mul3A_288 : vector<64x128xf32>
        %add3A_290 = arith.addf %add3A_262, %exp3A_289 : vector<64x128xf32>
        scf.yield %add3A_290 : vector<64x128xf32>
      }
      %scan3A_34 = arith.constant 128 : i32
      %reduce_sum3A = arith.constant dense<0.000000e+00> : vector<64xf32>
      %reduce_sum3A_35 = vector.multi_reduction <add>, %scan3A_33, %reduce_sum3A [1] : vector<64x128xf32> to vector<64xf32>
      %broadcast_in_dim3A_36 = vector.shape_cast %reduce_sum3A_35 : vector<64xf32> to vector<64x1xf32>
      %get3A_37 = arith.constant 0 : index
      %get3A_38 = arith.constant 0 : index
      %get3A_39 = vector.load %arg6[%get3A_37, %get3A_38] : memref<64x128xf32, #tpu.memory_space<vmem>>, vector<64x1xf32>
      %sub3A = arith.subf %get3A_27, %max3A : vector<64x1xf32>
      %mul3A_40 = vector.broadcast %div3A_4 : f32 to vector<64x1xf32>
      %mul3A_41 = arith.mulf %sub3A, %mul3A_40 : vector<64x1xf32>
      %exp3A = math.exp %mul3A_41 : vector<64x1xf32>
      %mul3A_42 = arith.mulf %get3A_39, %exp3A : vector<64x1xf32>
      %add3A_43 = arith.addf %mul3A_42, %broadcast_in_dim3A_36 : vector<64x1xf32>
      %swap3A = arith.constant 0 : index
      %swap3A_44 = arith.constant 0 : index
      %swap3A_45 = vector.load %arg6[%swap3A, %swap3A_44] : memref<64x128xf32, #tpu.memory_space<vmem>>, vector<64x1xf32>
      tpu.vector_store %arg6[%swap3A, %swap3A_44], %add3A_43 {strides = array<i32>} : memref<64x128xf32, #tpu.memory_space<vmem>>, vector<64x1xf32>,
      %swap3A_46 = arith.constant 0 : index
      %swap3A_47 = arith.constant 0 : index
      %swap3A_48 = vector.load %arg5[%swap3A_46, %swap3A_47] : memref<64x128xf32, #tpu.memory_space<vmem>>, vector<64x1xf32>
      tpu.vector_store %arg5[%swap3A_46, %swap3A_47], %max3A {strides = array<i32>} : memref<64x128xf32, #tpu.memory_space<vmem>>, vector<64x1xf32>,
      %get3A_49 = arith.constant 0 : index
      %get3A_50 = arith.constant 0 : index
      %get3A_51 = vector.load %arg2[%get3A_49, %get3A_50] : memref<64x1xf32, #tpu.memory_space<vmem>>, vector<64x1xf32>
      %get3A_52 = arith.constant 0 : index
      %get3A_53 = arith.constant 0 : index
      %get3A_54 = vector.load %arg5[%get3A_52, %get3A_53] : memref<64x128xf32, #tpu.memory_space<vmem>>, vector<64x1xf32>
      %sub3A_55 = arith.subf %get3A_51, %get3A_54 : vector<64x1xf32>
      %mul3A_56 = vector.broadcast %div3A_4 : f32 to vector<64x1xf32>
      %mul3A_57 = arith.mulf %sub3A_55, %mul3A_56 : vector<64x1xf32>
      %exp3A_58 = math.exp %mul3A_57 : vector<64x1xf32>
      %get3A_59 = arith.constant 0 : index
      %get3A_60 = arith.constant 0 : index
      %get3A_61 = vector.load %arg6[%get3A_59, %get3A_60] : memref<64x128xf32, #tpu.memory_space<vmem>>, vector<64x1xf32>
      %div3A_62 = arith.divf %exp3A_58, %get3A_61 : vector<64x1xf32>
      %broadcast_in_dim3A_63 = vector.shape_cast %div3A_62 : vector<64x1xf32> to vector<64x1xf32>
      %broadcast_in_dim3A_64 = vector.broadcast %broadcast_in_dim3A_63 : vector<64x1xf32> to vector<64x128xf32>
      %swap3A_65 = arith.constant 0 : index
      %swap3A_66 = arith.constant 0 : index
      %swap3A_67 = vector.load %arg4[%swap3A_65, %swap3A_66] : memref<64x128xf32, #tpu.memory_space<vmem>>, vector<64x128xf32>
      tpu.vector_store %arg4[%swap3A_65, %swap3A_66], %broadcast_in_dim3A_64 {strides = array<i32>} : memref<64x128xf32, #tpu.memory_space<vmem>>, vector<64x128xf32>,
    } else {
    }
    return
  }
  func.func @transform_0(%arg0: i32) -> (i32, i32) {
    %c0_i32 = arith.constant 0 : i32
    %c0_i32_0 = arith.constant 0 : i32
    %c0_i32_1 = arith.constant 0 : i32
    return %c0_i32, %c0_i32_0 : i32, i32
  }
  func.func @transform_1(%arg0: i32) -> (i32, i32) {
    %c0_i32 = arith.constant 0 : i32
    %c0_i32_0 = arith.constant 0 : i32
    %c0_i32_1 = arith.constant 0 : i32
    return %c0_i32, %c0_i32_0 : i32, i32
  }
  func.func @transform_2(%arg0: i32) -> (i32, i32) {
    %c0_i32 = arith.constant 0 : i32
    %c0_i32_0 = arith.constant 0 : i32
    return %c0_i32, %arg0 : i32, i32
  }
  func.func @transform_3(%arg0: i32) -> (i32, i32) {
    %c0_i32 = arith.constant 0 : i32
    %c0_i32_0 = arith.constant 0 : i32
    %c0_i32_1 = arith.constant 0 : i32
    return %c0_i32, %c0_i32_0 : i32, i32
  }
}

</mosaic_0001>

<sc_bundles>
// kernel: kernel.4.cloned.1.call-start
scs
__scs_entry_jumppad:
0x0: {  	(pc) =	sbr.rel $0x88, $3  }
0x1: {  	(tag) =	ssettag $0x0;
	lr =	simm.s32 $0x1  }
0x2: {  	[smem:$0x3F9E] =	sst lr;
	_ =	strace $0xD0000000  }
0x3: {  	_ = 	snop  }
0x4: {  	_ = 	snop  }
0x5: {  	_ = 	snop  }
0x6: {  	_ = 	snop  }
0x7: {  	_ = 	snop  }
__scs_overlays_trampoline_lowered:
0x8: {  	[smem:$0x3FAD] =	sst s0  }
0x9: {  	[smem:$0x3FAE] =	sst s1  }
0xa: {  	[smem:$0x3FAF] =	sst s2  }
0xb: {  	[smem:$0x3FB0] =	sst s3  }
0xc: {  	[smem:$0x3FB1] =	sst s4  }
0xd: {  	[smem:$0x3FB2] =	sst s5  }
0xe: {  	[smem:$0x3FB3] =	sst s6  }
0xf: {  	[smem:$0x3FB4] =	sst s7  }
0x10: {  	[smem:$0x3FB5] =	sst s8  }
0x11: {  	[smem:$0x3FB6] =	sst s9;
	s0 =	simm.s32 @!p0 $0x0  }
0x12: {  	s1 =	sld [smem:$0x3F9C];
	s0 =	simm.s32 @p0 $0x1  }
0x13: {  	[smem:$0x3FB7] =	sst s0;
	s0 =	simm.s32 @!p1 $0x0  }
0x14: {  	s2 =	sld [smem:$0x3F9B];
	s0 =	simm.s32 @p1 $0x1  }
0x15: {  	[smem:$0x3FB8] =	sst s0;
	s0 =	simm.s32 @!p2 $0x0  }
0x16: {  	s3 =	sld [smem:$0x3FDB];
	s0 =	simm.s32 @p2 $0x1  }
0x17: {  	s4 =	simm.s32 $0x1BF5;
	[smem:$0x3FBA] =	sst s0  }
0x18: {  	s0 =	sld [smem:$0x3F9D];
	_ =	swait.ge [sflag:s4], $0x0  }
0x19: {  	s7 =	sld [smem:$0x3F9E]  }
0x1a: {  	s8 =	sadd.s32 $0xFFFFE003, lr  }
0x1b: {  	s9 =	sadd.s32 $0xFFFFFEF7, lr;
	s5 =	simm.s32 $0xFFFFFFFF;
	p2 =	slt.u32 s8, $0xFFFFF086  }
0x1c: {  	p1 =	slt.u32 s9, $0xF7A;
	s5 =	simm.s32 @!p2 $0x0  }
0x1d: {  	s5 =	simm.s32 @p1 $0x1;
	p0 =	seq.s32 s7, s2  }
0x1e: {  	s7 =	smul.u32 @!p0 $0xF7A, s2;
	p2 =	seq.s32 @!p0 s5, $0x0  }
0x1f: {  	s9 =	smul.u32 $0xF7A, s1;
	s8 =	simm.s32 @!p0 $0x1BF5;
	p2 =	por !p2, p0  }
0x20: {  	[sflag:s8] =	ssyncset.s32 @!p0 $0xFFFFF086;
	s6 =	sadd.s32 @!p0 s3, s7;
	s7 =	simm.s32 @!p0 $0x108  }
0x21: {  	s3 =	sadd.s32 s3, s9;
	s6 =	sadd.s32 @!p0 $0x88, s6;
	s7 =	simm.s32 @p2 $0x1082  }
0x22: {  	[simem:s7], [sflag:s8] =	dma.local @!p0 [hbm:s6], $0xF7A  }
0x23: {  	s9 =	sor.u32 $0xD0000000, s2;
	s6 =	simm.s32 $0x108;
	_ =	swait.ge @!p0 [sflag:s8], $0x0  }
0x24: {  	s3 =	sadd.s32 $0x88, s3;
	s6 =	simm.s32 @!p1 $0x1082;
	[sflag:s4] =	ssyncset.s32 $0xFFFFF086  }
0x25: {  	[simem:s6], [sflag:s4] =	dma.local [hbm:s3], $0xF7A  }
0x26: {  	[smem:$0x3F9E] =	sst s1;
	(tag) =	ssettag s2;
	_ =	strace s9  }
0x27: {  	s1 =	sld [smem:$0x3FAE]  }
0x28: {  	s2 =	sld [smem:$0x3FAF]  }
0x29: {  	s4 =	sld [smem:$0x3FB1]  }
0x2a: {  	p0 =	seq.s32 s5, $0x0;
	s5 =	sld [smem:$0x3FB2]  }
0x2b: {  	s6 =	sld [smem:$0x3FB3]  }
0x2c: {  	s7 =	sld [smem:$0x3FB4]  }
0x2d: {  	s3 =	simm.s32 $0x108;
	s8 =	sld [smem:$0x3FB5]  }
0x2e: {  	s3 =	simm.s32 @!p0 $0x1082;
	s9 =	sld [smem:$0x3FB6]  }
0x2f: {  	lr =	sadd.s32 s0, s3;
	s0 =	sld [smem:$0x3FAD]  }
0x30: {  	s3 =	sld [smem:$0x3FB0]  }
0x31: {  	[smem:$0x3FB9] =	sst s10  }
0x32: {  	s10 =	sld [smem:$0x3FB7];
	_ =	sdelay $0x3  }
0x33: {  	p0 =	seq.s32 s10, $0x1;
	s10 =	sld [smem:$0x3FB9];
	_ =	sdelay $0x3  }
0x34: {  	[smem:$0x3FB9] =	sst s10  }
0x35: {  	s10 =	sld [smem:$0x3FB8];
	_ =	sdelay $0x3  }
0x36: {  	p1 =	seq.s32 s10, $0x1;
	s10 =	sld [smem:$0x3FB9];
	_ =	sdelay $0x3  }
0x37: {  	[smem:$0x3FB9] =	sst s10  }
0x38: {  	s10 =	sld [smem:$0x3FBA]  }
0x39: {  	_ = 	snop;
	(pc) =	sbr.ind lr, $3  }
0x3a: {  	_ = 	snop  }
0x3b: {  	_ = 	snop  }
0x3c: {  	p2 =	seq.s32 s10, $0x1;
	s10 =	sld [smem:$0x3FB9]  }
0x3d: {  	_ =	shalt  }
0x3e: {  	_ =	shalt  }
0x3f: {  	_ =	shalt  }
0x40: {  	_ =	shalt  }
0x41: {  	_ =	shalt  }
0x42: {  	_ =	shalt  }
0x43: {  	_ =	shalt  }
0x44: {  	_ =	shalt  }
0x45: {  	_ =	shalt  }
0x46: {  	_ =	shalt  }
0x47: {  	_ =	shalt  }
0x48: {  	_ =	shalt  }
0x49: {  	_ =	shalt  }
0x4a: {  	_ =	shalt  }
0x4b: {  	_ =	shalt  }
0x4c: {  	_ =	shalt  }
0x4d: {  	_ =	shalt  }
0x4e: {  	_ =	shalt  }
0x4f: {  	_ =	shalt  }
0x50: {  	_ =	shalt  }
0x51: {  	_ =	shalt  }
0x52: {  	_ =	shalt  }
0x53: {  	_ =	shalt  }
0x54: {  	_ =	shalt  }
0x55: {  	_ =	shalt  }
0x56: {  	_ =	shalt  }
0x57: {  	_ =	shalt  }
0x58: {  	_ =	shalt  }
0x59: {  	_ =	shalt  }
0x5a: {  	_ =	shalt  }
0x5b: {  	_ =	shalt  }
0x5c: {  	_ =	shalt  }
0x5d: {  	_ =	shalt  }
0x5e: {  	_ =	shalt  }
0x5f: {  	_ =	shalt  }
0x60: {  	_ =	shalt  }
0x61: {  	_ =	shalt  }
0x62: {  	_ =	shalt  }
0x63: {  	_ =	shalt  }
0x64: {  	_ =	shalt  }
0x65: {  	_ =	shalt  }
0x66: {  	_ =	shalt  }
0x67: {  	_ =	shalt  }
0x68: {  	_ =	shalt  }
0x69: {  	_ =	shalt  }
0x6a: {  	_ =	shalt  }
0x6b: {  	_ =	shalt  }
0x6c: {  	_ =	shalt  }
0x6d: {  	_ =	shalt  }
0x6e: {  	_ =	shalt  }
0x6f: {  	_ =	shalt  }
0x70: {  	_ =	shalt  }
0x71: {  	_ =	shalt  }
0x72: {  	_ =	shalt  }
0x73: {  	_ =	shalt  }
0x74: {  	_ =	shalt  }
0x75: {  	_ =	shalt  }
0x76: {  	_ =	shalt  }
0x77: {  	_ =	shalt  }
0x78: {  	_ =	shalt  }
0x79: {  	_ =	shalt  }
0x7a: {  	_ =	shalt  }
0x7b: {  	_ =	shalt  }
0x7c: {  	_ =	shalt  }
0x7d: {  	_ =	shalt  }
0x7e: {  	_ =	shalt  }
0x7f: {  	_ =	shalt  }
0x80: {  	_ =	shalt  }
0x81: {  	_ =	shalt  }
0x82: {  	_ =	shalt  }
0x83: {  	_ =	shalt  }
0x84: {  	_ =	shalt  }
0x85: {  	_ =	shalt  }
0x86: {  	_ =	shalt  }
0x87: {  	_ =	shalt  }
.Lfunc_end0:
.L_simem_size_0:
called_computation_lowered:
.L_overlay_start_0:
0x88: {  	s2 =	sld [smem:$0x3FD9]  }
0x89: {  	s3 =	sld [smem:$0x3FFE];
	_ =	sdelay $0x1  }
0x8a: {  	s1 =	srdreg.scid  }
0x8b: {  	s0 =	sand.u32 $0x1, s1  }
0x8c: {  	s17 =	sshll.u32 s0, $0xA;
	s2 =	sadd.s32 s3, s2  }
0x8d: {  	s2 =	sadd.s32 s2, s17  }
0x8e: {  	[smem:$0x3FC5] =	sst s2  }
0x8f: {  	_ = 	snop  }
0x90: {  	s2 =	sld [smem:$0x3FC8];
	(tm) =	ssettm $0x1  }
0x91: {  	s18 =	sld [smem:$0x3FFB];
	_ =	sdelay $0x3  }
0x92: {  	_ =	strace s18  }
0x93: {  	s3 =	sld [smem:$0x3FFC];
	_ =	sdelay $0x3  }
0x94: {  	_ =	strace s3  }
0x95: {  	s3 =	sld [smem:$0x3FFD];
	_ =	sdelay $0x3  }
0x96: {  	_ =	strace s3  }
0x97: {  	_ =	strace $0x8FFFFFFF  }
0x98: {  	s19 =	sld [smem:$0x3FDB];
	_ =	sdelay $0x1  }
0x99: {  	s4 =	simm.s32 $_scs_section_size  }
0x9a: {  	s5 =	simm.s32 $_size__tile_overlayer_lowered;
	s6 =	simm.s32 $_tile_overlayer_lowered  }
0x9b: {  	s22 =	simm.s32 $0x1BFF;
	s21 =	sshll.u32 s6, $0x1;
	s3 =	sadd.s32 s4, s19  }
0x9c: {  	s7 =	simm.s32 $0x0;
	s20 =	sshll.u32 s5, $0x1;
	s5 =	sadd.s32 s21, s3  }
0x9d: {  	[timem:s7], [sflag:s22] =	dma.local [hbm:s5], s20  }
0x9e: {  	_ =	swait.ge [sflag:s22], s20  }
0x9f: {  	s4 =	ssub.s32 $0x0, s20;
	[sflag:s22] =	ssyncset.done $0x0  }
0xa0: {  	[sflag:s22] =	ssyncadd.s32 s4;
	_ =	sdelay $0x1  }
0xa1: {  	s23 =	simm.s32 $0x1B8B  }
0xa2: {  	_ =	swait.ge [sflag:s23], $0x1  }
0xa3: {  	[sflag:s23] =	ssyncset.done $0x0  }
0xa4: {  	s25 =	simm.s32 $0x1B8E;
	s24 =	sld [smem:$0x3FFE];
	[sflag:s23] =	ssyncadd.s32 $0xFFFFFFFF  }
0xa5: {  	s26 =	simm.s32 $execute0_lowered;
	[smem:$0x3FD2] =	sst s25  }
0xa6: {  	s5 =	sshll.u32 s26, $0x1;
	_ =	strace $0x80000046;
	[dreg:$0x1] =	wrdreg $0xFFFFFFFF  }
0xa7: {  	s28 =	simm.s32 $_size_execute0_lowered;
	s3 =	sadd.s32 s3, s5;
	[dreg:$0x0] =	wrdreg $0x0  }
0xa8: {  	s5 =	sshll.u32 s28, $0x1;
	[dreg:$0x2] =	wrdreg s3  }
0xa9: {  	[dreg:$0x3] =	wrdreg s5  }
0xaa: {  	[dreg:$0x4] =	wrdreg $0xC0  }
0xab: {  	_ =	task [dreg:s7], $0x5FFFF  }
0xac: {  	[dreg:$0x1] =	wrdreg $0xFFFFFFFF  }
0xad: {  	[dreg:$0x0] =	wrdreg $0x60  }
0xae: {  	[dreg:$0x2] =	wrdreg s24  }
0xaf: {  	[dreg:$0x3] =	wrdreg s2  }
0xb0: {  	[dreg:$0x4] =	wrdreg $0x9  }
0xb1: {  	_ =	task.clear_ibuf [dreg:s7], $0x5FFFF;
	_ =	strace $0x90000046  }
0xb2: {  	s29 =	simm.s32 $0x9;
	_ =	strace $0x80000048  }
0xb3: {  	_ =	swait.ge [sflag:s29], $0x1  }
0xb4: {  	[sflag:s29] =	ssyncadd.s32 $0xFFFFFFFF  }
0xb5: {  	_ =	strace $0x90000048  }
0xb6: {  	_ =	sfence  }
0xb7: {  	s30 =	sld [smem:$0x0];
	_ =	sdelay $0x2  }
0xb8: {  	s31 =	sshll.u32 s1, $0xD;
	s1 =	sshrl.u32 s1, $0x2  }
0xb9: {  	s3 =	sand.u32 $0x4000, s31;
	s1 =	sadd.s32 s1, s30  }
0xba: {  	s0 =	sor.u32 s3, s0;
	s1 =	sshll.u32 s1, $0x11  }
0xbb: {  	s0 =	sor.u32 s1, s0  }
0xbc: {  	s0 =	sadd.s32 $0x8F2B, s0  }
0xbd: {  	[sflag:s0] =	ssyncadd.remote.s32 $0x1  }
0xbe: {  	_ =	sfence.sel $0xFFFF  }
0xbf: {  	[dreg:$0x0] =	wrdreg $0xFFFFFFFF;
	(pc) =	sbr.abs _section_cstart, $3  }
0xc0: {  	[dreg:$0x1] =	wrdreg $0xFFFFFFFF  }
0xc1: {  	_ =	task.clear_ibuf [dreg:s7], $0x2FFFF;
	_ =	strace $0x9FFFFFFF  }
0xc2: {  	(tm) =	ssettm $0x7FFFFFFF  }
0xc3: {  	_ =	shalt  }
tec
execute0_lowered:
.L_overlay_start_1:
0x0: {  	(tag) =	ssettag $0x1  }
0x1: {  	s0 =	srdreg.scid  }
0x2: {  	s6 =	sand.u32 $0x1, s0;
	s0 =	stileid.u32  }
0x3: {  	s4 =	sshll.u32 s0, $0x1;
	s5 =	ssub.s32 $0x0, s6  }
0x4: {  	p0 =	sne.s32 s4, s5  }
.Ltmp0:
0x5: {  	_ = 	snop;
	(pc) =	sbr.rel @p0 .LBB2_4-.Ltmp0, $4  }
0x6: {  	_ = 	snop  }
0x7: {  	s2 =	rddreg [dreg:$0x0]  }
0x8: {  	s3 =	rddreg [dreg:$0x1]  }
0x9: {  	s1 =	rddreg [dreg:$0x2];
	_ =	strace $0x80000047  }
0xa: {  	s5 =	simm.s32 $0x0;
	s4 =	simm.s32 $0x2  }
0xb: {  	[tilespmem:s5], [sflag:$0x2] =	stream.linear.gather [hbm4b:s3+s5], $0x80, $0x38;
	[tilespmem:$0x180] =	vst v63  }
0xc: {  	_ =	swait.ge [sflag:s4], $0x80  }
0xd: {  	[sflag:s4] =	ssyncset.done $0x0  }
0xe: {  	[sflag:s4] =	ssyncadd.s32 $0xFFFFFF80  }
0xf: {  	v3 =	vld [tilespmem:$0x30]  }
0x10: {  	v0 =	vlaneseq.u32;
	v4 =	vld [tilespmem:$0x20]  }
0x11: {  	v0 =	vmul.u32 $0xF4240, v0;
	v5 =	vld [tilespmem:$0x0]  }
0x12: {  	v6 =	vld [tilespmem:$0x10]  }
0x13: {  	s6 =	ssub.s32 $0x2, s6;
	v1 =	vadd.s32 $0x2DC6C00, v0  }
0x14: {  	s7 =	sshrl.u32 s6, $0x1;
	v2 =	vadd.s32 $0x1E84800, v0;
	v3 =	vadd.s32 v1, v3  }
0x15: {  	s10 =	ssub.s32 s6, s7;
	v4 =	vadd.s32 v2, v4;
	[tilespmem:$0xB0] =	vst v3  }
0x16: {  	s11 =	smax.u32 s10, $0x1;
	v5 =	vadd.s32 v0, v5;
	v3 =	vadd.s32 $0xF42400, v0;
	[tilespmem:$0xA0] =	vst v4  }
0x17: {  	s8 =	simm.s32 $0x80;
	s9 =	simm.s32 $0x1;
	p0 =	sne.s32 s11, $0x1;
	[tilespmem:$0x80] =	vst v5;
	v4 =	vadd.s32 v3, v6  }
.Ltmp1:
0x18: {  	s6 =	simm.s32 $0x40;
	s7 =	simm.s32 $0x100;
	[tilespmem:$0x90] =	vst v4;
	(pc) =	sbr.rel @!p0 .LBB2_3-.Ltmp1, $4  }
0x19: {  	[tilespmem:s7], [sflag:$0x1] =	stream.indirect.gather [hbm4b:s2+s6], $0x1, s8, s6, $0xb8;
	[tilespmem:$0x180] =	vst v63  }
0x1a: {  	_ =	swait.ge [sflag:s9], $0x40  }
0x1b: {  	[sflag:s9] =	ssyncset.done $0x0  }
0x1c: {  	s10 =	sadd.s32 $0x7A1200, s2;
	s11 =	sadd.s32 $0xFFFFFFFF, s11;
	[sflag:s9] =	ssyncadd.s32 $0xFFFFFFC0  }
.LBB2_2:
0x1d: {  	[hbm4b:s10+s5] =	stream.linear.scatter [tilespmem:s7], [sflag:$0x2], $0x80, $0x38;
	[tilespmem:$0x180] =	vst v63  }
0x1e: {  	p0 =	sne.s32 s11, $0x1;
	s11 =	sadd.s32 $0xFFFFFFFF, s11;
	_ =	swait.ge [sflag:s4], $0x80  }
0x1f: {  	[sflag:s4] =	ssyncset.done $0x0  }
0x20: {  	[sflag:s4] =	ssyncadd.s32 $0xFFFFFF80  }
0x21: {  	[tilespmem:s5], [sflag:$0x2] =	stream.linear.gather [hbm4b:s3+s5], $0x80, $0x38;
	[tilespmem:$0x180] =	vst v63  }
0x22: {  	_ =	swait.ge [sflag:s4], $0x80  }
0x23: {  	[sflag:s4] =	ssyncset.done $0x0  }
0x24: {  	[sflag:s4] =	ssyncadd.s32 $0xFFFFFF80  }
0x25: {  	v4 =	vld [tilespmem:$0x30]  }
0x26: {  	v5 =	vld [tilespmem:$0x20]  }
0x27: {  	v6 =	vld [tilespmem:$0x0]  }
0x28: {  	v7 =	vld [tilespmem:$0x10];
	_ =	sdelay $0x1  }
0x29: {  	v4 =	vadd.s32 v1, v4  }
0x2a: {  	v5 =	vadd.s32 v2, v5;
	[tilespmem:$0xB0] =	vst v4  }
0x2b: {  	v4 =	vadd.s32 v0, v6;
	[tilespmem:$0xA0] =	vst v5  }
0x2c: {  	[tilespmem:$0x80] =	vst v4;
	v4 =	vadd.s32 v3, v7  }
.Ltmp2:
0x2d: {  	[tilespmem:$0x90] =	vst v4;
	(pc) =	sbr.rel @p0 .LBB2_2-.Ltmp2, $4  }
0x2e: {  	[tilespmem:s7], [sflag:$0x1] =	stream.indirect.gather [hbm4b:s2+s6], $0x1, s8, s6, $0xb8;
	[tilespmem:$0x180] =	vst v63  }
0x2f: {  	_ =	swait.ge [sflag:s9], $0x40  }
0x30: {  	[sflag:s9] =	ssyncset.done $0x0  }
0x31: {  	[sflag:s9] =	ssyncadd.s32 $0xFFFFFFC0  }
.LBB2_3:
0x32: {  	[hbm4b:s10+s5] =	stream.linear.scatter [tilespmem:s7], [sflag:$0x2], $0x80, $0x38;
	[tilespmem:$0x180] =	vst v63  }
0x33: {  	_ =	swait.ge [sflag:s4], $0x80  }
0x34: {  	[sflag:s4] =	ssyncset.done $0x0  }
0x35: {  	[sflag:s4] =	ssyncadd.s32 $0xFFFFFF80  }
.LBB2_4:
0x36: {  	_ =	sfence.sel $0x180000  }
0x37: {  	[bflag:$0x0] =	sbarrier.arrive $0xFFFF  }
0x38: {  	p0 =	sne.s32 s0, $0x0;
	_ =	strace $0x90000047  }
0x39: {  	s0 =	sadd.s32 @!p0 $0x100000, s1;
	[bflag:$0x2] =	sbarrier.arrive $0xFFFF  }
0x3a: {  	[sflag:s0] =	ssyncadd.tile.s32 @!p0 $0x1;
	_ =	shalt  }
.Lfunc_end2:
_tile_overlayer_lowered:
.L_overlay_start_2:
0x3b: {  	(tag) =	ssettag $0x2  }
0x3c: {  	s0 =	rddreg [dreg:$0x0];
	s2 =	stileid.u32  }
0x3d: {  	s1 =	rddreg [dreg:$0x1];
	p0 =	sne.s32 s2, $0x0  }
0x3e: {  	s3 =	rddreg [dreg:$0x2];
	[bflag:$0x3] =	sbarrier.arrive $0xFFFF;
	s2 =	simm.s32 @!p0 $0x1C02  }
0x3f: {  	[timem:s3], [sflag:s2] =	dma.local @!p0 [hbm:s0], s1  }
0x40: {  	s0 =	simm.s32 @!p0 $0x2  }
0x41: {  	_ =	swait.ge @!p0 [sflag:s0], s1  }
0x42: {  	s1 =	ssub.s32 @!p0 $0x0, s1;
	[sflag:s0] =	ssyncset.done @!p0 $0x0  }
0x43: {  	[sflag:s0] =	ssyncadd.s32 @!p0 s1  }
0x44: {  	[bflag:$0x3] =	sbarrier.arrive $0xFFFF  }
0x45: {  	_ =	shalt  }

</sc_bundles>
